<compile_context>
chip_gen: v7x
topology: tpu7x:2x2x1
jax: 0.10.2.dev20260603
libtpu: 0.0.44.dev20260713+nightly
codegen_flags: <defaults>
</compile_context>

<pallas_src>
import functools

import jax
import jax.numpy as jnp
from jax import lax
from jax.experimental import pallas as pl
from jax.experimental.pallas import tpu as pltpu
from jax.experimental.pallas import tpu_sc as plsc

DIM = 4096
BATCH = 16384
NUM_STEPS = 4

_NC, _NS = 2, 16
_NW = _NC * _NS
_BPW = BATCH // _NW
_K = 16
_NCHUNK = _BPW // _K


@functools.partial(
    pl.kernel,
    out_type=jax.ShapeDtypeStruct((BATCH, DIM), jnp.float32),
    mesh=plsc.VectorSubcoreMesh(core_axis_name="c", subcore_axis_name="s"),
    scratch_types=[
        pltpu.VMEM((_BPW,), jnp.int32),
        pltpu.VMEM((_K, DIM), jnp.float32),
        pltpu.SemaphoreType.DMA,
    ],
)
def _sc_gather(table_hbm, ids_hbm, out_hbm, idx_v, rows_v, gsem):
    wid = lax.axis_index("s") * _NC + lax.axis_index("c")
    base = wid * _BPW
    pltpu.sync_copy(ids_hbm.at[pl.ds(base, _BPW)], idx_v)

    def body(c, carry):
        off = c * _K
        pltpu.async_copy(
            table_hbm.at[idx_v.at[pl.ds(off, _K)]], rows_v, gsem
        ).wait()
        pltpu.sync_copy(rows_v, out_hbm.at[pl.ds(base + off, _K)])
        return carry

    lax.fori_loop(0, _NCHUNK, body, 0)


def kernel(step_ids, step_embeddings):
    ids = step_ids.astype(jnp.int32)
    out = _sc_gather(step_embeddings, ids)
    return out[:, None, :]

# --- scband reference (transcript-rebuilt; emitter-appended) ---
"""Pipeline reference for scband-mco-tstep-processor-31190052503625 (READ-ONLY COPY).

The authoritative reference and input builder live on the scoring server;
editing this copy changes nothing except your own understanding.
"""

import jax, jax.numpy as jnp
import numpy as np

DIM = 4096
BATCH = 16384
NUM_STEPS = 4

def setup_inputs(seed: int = 0) -> dict:
    key = jax.random.key(seed)
    k1, k2 = jax.random.split(key)
    step_ids = jax.random.randint(k1, (BATCH,), 0, NUM_STEPS, dtype=jnp.int64 if jax.config.jax_enable_x64 else jnp.int32)
    step_embeddings = jax.random.normal(k2, (NUM_STEPS, DIM), dtype=jnp.float32)
    return {"step_ids": step_ids, "step_embeddings": step_embeddings}

def reference(step_ids, step_embeddings):
    # Faithful to MCoTStepProcessor.get_step_embedding:
    # step_emb = self.step_embeddings(step_ids).unsqueeze(1) -> [B, 1, D]
    step_emb = jnp.take(step_embeddings, step_ids, axis=0)
    return step_emb[:, None, :]

if __name__ == "__main__":
    import jax
    _d = setup_inputs()
    print(jax.jit(kernel)(*tuple(_d.values())))

</pallas_src>

<mosaic_0001>
#map = affine_map<(d0, d1) -> (0, 0)>
#map1 = affine_map<(d0, d1) -> (0)>
module attributes {stable_mosaic.version = 14 : i64} {
  func.func @_sc_gather(%arg0: i32, %arg1: i32, %arg2: memref<4x4096xf32, #tpu.memory_space<hbm>>, %arg3: memref<16384xi32, #tpu.memory_space<hbm>>, %arg4: memref<16384x4096xf32, #tpu.memory_space<hbm>>, %arg5: memref<512xi32, #tpu.memory_space<vmem>>, %arg6: memref<16x4096xf32, #tpu.memory_space<vmem>>, %arg7: memref<!tpu.dma_semaphore, #tpu.memory_space<semaphore_mem>>) attributes {dimension_semantics = [#tpu.dimension_semantics<core_parallel>, #tpu.dimension_semantics<subcore_parallel>], iteration_bounds = array<i64: 2, 16>, scalar_prefetch = 0 : i64, scratch_operands = 3 : i64, tpu.core_type = #tpu.core_type<sc_vector_subcore>, window_params = [{transform_indices = #map}, {transform_indices = #map1}, {transform_indices = #map}]} {
    %mul3A = arith.constant 2 : i32
    %mul3A_0 = arith.muli %arg1, %mul3A : i32
    %add3A = arith.addi %mul3A_0, %arg0 : i32
    %mul3A_1 = arith.constant 512 : i32
    %mul3A_2 = arith.muli %add3A, %mul3A_1 : i32
    "tpu.region"() ({
      %run_scoped3A = tpu.sem_alloc : memref<!tpu.dma_semaphore, #tpu.memory_space<semaphore_mem>>
      %dma_start3A = tpu.memref_slice %arg3[%mul3A_2] : memref<16384xi32, #tpu.memory_space<hbm>> -> memref<512xi32, #tpu.memory_space<hbm>>
      %dma_start3A_8 = tpu.memref_slice %arg3[%mul3A_2] : memref<16384xi32, #tpu.memory_space<hbm>> -> memref<512xi32, #tpu.memory_space<hbm>>
      tpu.enqueue_dma source(%dma_start3A_8 : memref<512xi32, #tpu.memory_space<hbm>>) target(%arg5 : memref<512xi32, #tpu.memory_space<vmem>>) target_semaphore(%run_scoped3A : memref<!tpu.dma_semaphore, #tpu.memory_space<semaphore_mem>>)
      %dma_wait3A = tpu.memref_slice %arg3[%mul3A_2] : memref<16384xi32, #tpu.memory_space<hbm>> -> memref<512xi32, #tpu.memory_space<hbm>>
      %dma_wait3A_9 = tpu.memref_slice %arg3[%mul3A_2] : memref<16384xi32, #tpu.memory_space<hbm>> -> memref<512xi32, #tpu.memory_space<hbm>>
      tpu.wait_dma2 semaphore(%run_scoped3A : memref<!tpu.dma_semaphore, #tpu.memory_space<semaphore_mem>>) src(%dma_wait3A_9 : memref<512xi32, #tpu.memory_space<hbm>>) dst(%arg5 : memref<512xi32, #tpu.memory_space<vmem>>)
      tpu.yield
    }) : () -> ()
    %scan3A = arith.constant 0 : i32
    %scan3A_3 = arith.constant 0 : i32
    %scan3A_4 = arith.constant 32 : i32
    %scan3A_5 = arith.addi %scan3A_3, %scan3A_4 : i32
    %scan3A_6 = arith.constant 1 : i32
    scf.for %scan3A_8 = %scan3A_3 to %scan3A_5 step %scan3A_6  : i32 {
      %mul3A_9 = arith.constant 16 : i32
      %mul3A_10 = arith.muli %scan3A_8, %mul3A_9 : i32
      %dma_start3A = tpu.memref_slice %arg5[%mul3A_10] : memref<512xi32, #tpu.memory_space<vmem>> -> memref<16xi32, #tpu.memory_space<vmem>>
      %dma_start3A_11 = arith.constant 0 : i32
      %dma_start3A_12 = arith.constant 0 : i32
      %dma_start3A_13 = tpu.memref_slice %arg2[%dma_start3A_11, %dma_start3A_12] : memref<4x4096xf32, #tpu.memory_space<hbm>> -> memref<4x4096xf32, #tpu.memory_space<hbm>>
      tpu.enqueue_indirect_dma source(%dma_start3A_13 : memref<4x4096xf32, #tpu.memory_space<hbm>>) target(%arg6 : memref<16x4096xf32, #tpu.memory_space<vmem>>) offsets(%dma_start3A : memref<16xi32, #tpu.memory_space<vmem>>) semaphore(%arg7 : memref<!tpu.dma_semaphore, #tpu.memory_space<semaphore_mem>>)
      %dma_wait3A = tpu.memref_slice %arg5[%mul3A_10] : memref<512xi32, #tpu.memory_space<vmem>> -> memref<16xi32, #tpu.memory_space<vmem>>
      %dma_wait3A_14 = arith.constant 0 : i32
      %dma_wait3A_15 = arith.constant 0 : i32
      %dma_wait3A_16 = tpu.memref_slice %arg2[%dma_wait3A_14, %dma_wait3A_15] : memref<4x4096xf32, #tpu.memory_space<hbm>> -> memref<4x4096xf32, #tpu.memory_space<hbm>>
      tpu.wait_indirect_dma semaphore(%arg7 : memref<!tpu.dma_semaphore, #tpu.memory_space<semaphore_mem>>) src(%dma_wait3A_16 : memref<4x4096xf32, #tpu.memory_space<hbm>>) dst(%arg6 : memref<16x4096xf32, #tpu.memory_space<vmem>>)
      %add3A_17 = arith.addi %mul3A_2, %mul3A_10 : i32
      "tpu.region"() ({
        %run_scoped3A = tpu.sem_alloc : memref<!tpu.dma_semaphore, #tpu.memory_space<semaphore_mem>>
        %dma_start3A_18 = arith.constant 0 : i32
        %dma_start3A_19 = tpu.memref_slice %arg4[%add3A_17, %dma_start3A_18] : memref<16384x4096xf32, #tpu.memory_space<hbm>> -> memref<16x4096xf32, #tpu.memory_space<hbm>>
        %dma_start3A_20 = arith.constant 0 : i32
        %dma_start3A_21 = tpu.memref_slice %arg4[%add3A_17, %dma_start3A_20] : memref<16384x4096xf32, #tpu.memory_space<hbm>> -> memref<16x4096xf32, #tpu.memory_space<hbm>>
        tpu.enqueue_dma source(%arg6 : memref<16x4096xf32, #tpu.memory_space<vmem>>) target(%dma_start3A_21 : memref<16x4096xf32, #tpu.memory_space<hbm>>) target_semaphore(%run_scoped3A : memref<!tpu.dma_semaphore, #tpu.memory_space<semaphore_mem>>)
        %dma_wait3A_22 = arith.constant 0 : i32
        %dma_wait3A_23 = tpu.memref_slice %arg4[%add3A_17, %dma_wait3A_22] : memref<16384x4096xf32, #tpu.memory_space<hbm>> -> memref<16x4096xf32, #tpu.memory_space<hbm>>
        %dma_wait3A_24 = arith.constant 0 : i32
        %dma_wait3A_25 = tpu.memref_slice %arg4[%add3A_17, %dma_wait3A_24] : memref<16384x4096xf32, #tpu.memory_space<hbm>> -> memref<16x4096xf32, #tpu.memory_space<hbm>>
        tpu.wait_dma2 semaphore(%run_scoped3A : memref<!tpu.dma_semaphore, #tpu.memory_space<semaphore_mem>>) src(%arg6 : memref<16x4096xf32, #tpu.memory_space<vmem>>) dst(%dma_wait3A_25 : memref<16x4096xf32, #tpu.memory_space<hbm>>)
        tpu.yield
      }) : () -> ()
    }
    %scan3A_7 = arith.constant 32 : i32
    return
  }
}

</mosaic_0001>

<sc_bundles>
// kernel: kernel.3.cloned.1.call-start
scs
__scs_entry_jumppad:
0x0: {  	(pc) =	sbr.rel $0x88, $3  }
0x1: {  	(tag) =	ssettag $0x0;
	lr =	simm.s32 $0x1  }
0x2: {  	[smem:$0x3F9F] =	sst lr;
	_ =	strace $0xD0000000  }
0x3: {  	_ = 	snop  }
0x4: {  	_ = 	snop  }
0x5: {  	_ = 	snop  }
0x6: {  	_ = 	snop  }
0x7: {  	_ = 	snop  }
__scs_overlays_trampoline_lowered:
0x8: {  	[smem:$0x3FAE] =	sst s0  }
0x9: {  	[smem:$0x3FAF] =	sst s1  }
0xa: {  	[smem:$0x3FB0] =	sst s2  }
0xb: {  	[smem:$0x3FB1] =	sst s3  }
0xc: {  	[smem:$0x3FB2] =	sst s4  }
0xd: {  	[smem:$0x3FB3] =	sst s5  }
0xe: {  	[smem:$0x3FB4] =	sst s6  }
0xf: {  	[smem:$0x3FB5] =	sst s7  }
0x10: {  	[smem:$0x3FB6] =	sst s8  }
0x11: {  	[smem:$0x3FB7] =	sst s9;
	s0 =	simm.s32 @!p0 $0x0  }
0x12: {  	s1 =	sld [smem:$0x3F9D];
	s0 =	simm.s32 @p0 $0x1  }
0x13: {  	[smem:$0x3FB8] =	sst s0;
	s0 =	simm.s32 @!p1 $0x0  }
0x14: {  	s2 =	sld [smem:$0x3F9C];
	s0 =	simm.s32 @p1 $0x1  }
0x15: {  	[smem:$0x3FB9] =	sst s0;
	s0 =	simm.s32 @!p2 $0x0  }
0x16: {  	s3 =	sld [smem:$0x3FDB];
	s0 =	simm.s32 @p2 $0x1  }
0x17: {  	s4 =	simm.s32 $0x1BF5;
	[smem:$0x3FBB] =	sst s0  }
0x18: {  	s0 =	sld [smem:$0x3F9E];
	_ =	swait.ge [sflag:s4], $0x0  }
0x19: {  	s7 =	sld [smem:$0x3F9F]  }
0x1a: {  	s8 =	sadd.s32 $0xFFFFE003, lr  }
0x1b: {  	s9 =	sadd.s32 $0xFFFFFEF7, lr;
	s5 =	simm.s32 $0xFFFFFFFF;
	p2 =	slt.u32 s8, $0xFFFFF086  }
0x1c: {  	p1 =	slt.u32 s9, $0xF7A;
	s5 =	simm.s32 @!p2 $0x0  }
0x1d: {  	s5 =	simm.s32 @p1 $0x1;
	p0 =	seq.s32 s7, s2  }
0x1e: {  	s7 =	smul.u32 @!p0 $0xF7A, s2;
	p2 =	seq.s32 @!p0 s5, $0x0  }
0x1f: {  	s9 =	smul.u32 $0xF7A, s1;
	s8 =	simm.s32 @!p0 $0x1BF5;
	p2 =	por !p2, p0  }
0x20: {  	[sflag:s8] =	ssyncset.s32 @!p0 $0xFFFFF086;
	s6 =	sadd.s32 @!p0 s3, s7;
	s7 =	simm.s32 @!p0 $0x108  }
0x21: {  	s3 =	sadd.s32 s3, s9;
	s6 =	sadd.s32 @!p0 $0x88, s6;
	s7 =	simm.s32 @p2 $0x1082  }
0x22: {  	[simem:s7], [sflag:s8] =	dma.local @!p0 [hbm:s6], $0xF7A  }
0x23: {  	s9 =	sor.u32 $0xD0000000, s2;
	s6 =	simm.s32 $0x108;
	_ =	swait.ge @!p0 [sflag:s8], $0x0  }
0x24: {  	s3 =	sadd.s32 $0x88, s3;
	s6 =	simm.s32 @!p1 $0x1082;
	[sflag:s4] =	ssyncset.s32 $0xFFFFF086  }
0x25: {  	[simem:s6], [sflag:s4] =	dma.local [hbm:s3], $0xF7A  }
0x26: {  	[smem:$0x3F9F] =	sst s1;
	(tag) =	ssettag s2;
	_ =	strace s9  }
0x27: {  	s1 =	sld [smem:$0x3FAF]  }
0x28: {  	s2 =	sld [smem:$0x3FB0]  }
0x29: {  	s4 =	sld [smem:$0x3FB2]  }
0x2a: {  	p0 =	seq.s32 s5, $0x0;
	s5 =	sld [smem:$0x3FB3]  }
0x2b: {  	s6 =	sld [smem:$0x3FB4]  }
0x2c: {  	s7 =	sld [smem:$0x3FB5]  }
0x2d: {  	s3 =	simm.s32 $0x108;
	s8 =	sld [smem:$0x3FB6]  }
0x2e: {  	s3 =	simm.s32 @!p0 $0x1082;
	s9 =	sld [smem:$0x3FB7]  }
0x2f: {  	lr =	sadd.s32 s0, s3;
	s0 =	sld [smem:$0x3FAE]  }
0x30: {  	s3 =	sld [smem:$0x3FB1]  }
0x31: {  	[smem:$0x3FBA] =	sst s10  }
0x32: {  	s10 =	sld [smem:$0x3FB8];
	_ =	sdelay $0x3  }
0x33: {  	p0 =	seq.s32 s10, $0x1;
	s10 =	sld [smem:$0x3FBA];
	_ =	sdelay $0x3  }
0x34: {  	[smem:$0x3FBA] =	sst s10  }
0x35: {  	s10 =	sld [smem:$0x3FB9];
	_ =	sdelay $0x3  }
0x36: {  	p1 =	seq.s32 s10, $0x1;
	s10 =	sld [smem:$0x3FBA];
	_ =	sdelay $0x3  }
0x37: {  	[smem:$0x3FBA] =	sst s10  }
0x38: {  	s10 =	sld [smem:$0x3FBB]  }
0x39: {  	_ = 	snop;
	(pc) =	sbr.ind lr, $3  }
0x3a: {  	_ = 	snop  }
0x3b: {  	_ = 	snop  }
0x3c: {  	p2 =	seq.s32 s10, $0x1;
	s10 =	sld [smem:$0x3FBA]  }
0x3d: {  	_ =	shalt  }
0x3e: {  	_ =	shalt  }
0x3f: {  	_ =	shalt  }
0x40: {  	_ =	shalt  }
0x41: {  	_ =	shalt  }
0x42: {  	_ =	shalt  }
0x43: {  	_ =	shalt  }
0x44: {  	_ =	shalt  }
0x45: {  	_ =	shalt  }
0x46: {  	_ =	shalt  }
0x47: {  	_ =	shalt  }
0x48: {  	_ =	shalt  }
0x49: {  	_ =	shalt  }
0x4a: {  	_ =	shalt  }
0x4b: {  	_ =	shalt  }
0x4c: {  	_ =	shalt  }
0x4d: {  	_ =	shalt  }
0x4e: {  	_ =	shalt  }
0x4f: {  	_ =	shalt  }
0x50: {  	_ =	shalt  }
0x51: {  	_ =	shalt  }
0x52: {  	_ =	shalt  }
0x53: {  	_ =	shalt  }
0x54: {  	_ =	shalt  }
0x55: {  	_ =	shalt  }
0x56: {  	_ =	shalt  }
0x57: {  	_ =	shalt  }
0x58: {  	_ =	shalt  }
0x59: {  	_ =	shalt  }
0x5a: {  	_ =	shalt  }
0x5b: {  	_ =	shalt  }
0x5c: {  	_ =	shalt  }
0x5d: {  	_ =	shalt  }
0x5e: {  	_ =	shalt  }
0x5f: {  	_ =	shalt  }
0x60: {  	_ =	shalt  }
0x61: {  	_ =	shalt  }
0x62: {  	_ =	shalt  }
0x63: {  	_ =	shalt  }
0x64: {  	_ =	shalt  }
0x65: {  	_ =	shalt  }
0x66: {  	_ =	shalt  }
0x67: {  	_ =	shalt  }
0x68: {  	_ =	shalt  }
0x69: {  	_ =	shalt  }
0x6a: {  	_ =	shalt  }
0x6b: {  	_ =	shalt  }
0x6c: {  	_ =	shalt  }
0x6d: {  	_ =	shalt  }
0x6e: {  	_ =	shalt  }
0x6f: {  	_ =	shalt  }
0x70: {  	_ =	shalt  }
0x71: {  	_ =	shalt  }
0x72: {  	_ =	shalt  }
0x73: {  	_ =	shalt  }
0x74: {  	_ =	shalt  }
0x75: {  	_ =	shalt  }
0x76: {  	_ =	shalt  }
0x77: {  	_ =	shalt  }
0x78: {  	_ =	shalt  }
0x79: {  	_ =	shalt  }
0x7a: {  	_ =	shalt  }
0x7b: {  	_ =	shalt  }
0x7c: {  	_ =	shalt  }
0x7d: {  	_ =	shalt  }
0x7e: {  	_ =	shalt  }
0x7f: {  	_ =	shalt  }
0x80: {  	_ =	shalt  }
0x81: {  	_ =	shalt  }
0x82: {  	_ =	shalt  }
0x83: {  	_ =	shalt  }
0x84: {  	_ =	shalt  }
0x85: {  	_ =	shalt  }
0x86: {  	_ =	shalt  }
0x87: {  	_ =	shalt  }
.Lfunc_end0:
.L_simem_size_0:
called_computation.1_lowered:
.L_overlay_start_0:
0x88: {  	s2 =	sld [smem:$0x3FD9]  }
0x89: {  	s3 =	sld [smem:$0x3FFE];
	_ =	sdelay $0x1  }
0x8a: {  	s1 =	srdreg.scid  }
0x8b: {  	s0 =	sand.u32 $0x1, s1  }
0x8c: {  	s17 =	sshll.u32 s0, $0xA;
	s2 =	sadd.s32 s3, s2  }
0x8d: {  	s2 =	sadd.s32 s2, s17  }
0x8e: {  	[smem:$0x3FC6] =	sst s2  }
0x8f: {  	_ = 	snop  }
0x90: {  	s2 =	sld [smem:$0x3FC9]  }
0x91: {  	s18 =	sld [smem:$0x3FC8];
	(tm) =	ssettm $0x1  }
0x92: {  	s4 =	sld [smem:$0x3FFB];
	_ =	sdelay $0x3  }
0x93: {  	_ =	strace s4  }
0x94: {  	s4 =	sld [smem:$0x3FFC];
	_ =	sdelay $0x3  }
0x95: {  	_ =	strace s4  }
0x96: {  	s4 =	sld [smem:$0x3FFD];
	_ =	sdelay $0x3  }
0x97: {  	_ =	strace s4  }
0x98: {  	_ =	strace $0x8FFFFFFF  }
0x99: {  	s19 =	sld [smem:$0x3FDB];
	_ =	sdelay $0x1  }
0x9a: {  	s5 =	simm.s32 $_scs_section_size  }
0x9b: {  	s6 =	simm.s32 $_size__tile_overlayer_lowered;
	s7 =	simm.s32 $_tile_overlayer_lowered  }
0x9c: {  	s22 =	simm.s32 $0x1BFF;
	s21 =	sshll.u32 s7, $0x1;
	s4 =	sadd.s32 s5, s19  }
0x9d: {  	s8 =	simm.s32 $0x0;
	s20 =	sshll.u32 s6, $0x1;
	s6 =	sadd.s32 s21, s4  }
0x9e: {  	[timem:s8], [sflag:s22] =	dma.local [hbm:s6], s20  }
0x9f: {  	_ =	swait.ge [sflag:s22], s20  }
0xa0: {  	s5 =	ssub.s32 $0x0, s20;
	[sflag:s22] =	ssyncset.done $0x0  }
0xa1: {  	[sflag:s22] =	ssyncadd.s32 s5;
	_ =	sdelay $0x1  }
0xa2: {  	s23 =	simm.s32 $0x1B8B  }
0xa3: {  	_ =	swait.ge [sflag:s23], $0x1  }
0xa4: {  	[sflag:s23] =	ssyncset.done $0x0  }
0xa5: {  	s25 =	simm.s32 $0x1B8E;
	s24 =	sld [smem:$0x3FFE];
	[sflag:s23] =	ssyncadd.s32 $0xFFFFFFFF  }
0xa6: {  	s26 =	simm.s32 $execute0_lowered;
	[smem:$0x3FD2] =	sst s25  }
0xa7: {  	s6 =	sshll.u32 s26, $0x1;
	_ =	strace $0x80000046;
	[dreg:$0x1] =	wrdreg $0xFFFFFFFF  }
0xa8: {  	s28 =	simm.s32 $_size_execute0_lowered;
	s4 =	sadd.s32 s4, s6;
	[dreg:$0x0] =	wrdreg $0x0  }
0xa9: {  	s6 =	sshll.u32 s28, $0x1;
	[dreg:$0x2] =	wrdreg s4  }
0xaa: {  	[dreg:$0x3] =	wrdreg s6  }
0xab: {  	[dreg:$0x4] =	wrdreg $0xC0  }
0xac: {  	_ =	task [dreg:s8], $0x5FFFF  }
0xad: {  	[dreg:$0x1] =	wrdreg $0xFFFFFFFF  }
0xae: {  	[dreg:$0x0] =	wrdreg $0x60  }
0xaf: {  	[dreg:$0x2] =	wrdreg s18  }
0xb0: {  	[dreg:$0x3] =	wrdreg s2  }
0xb1: {  	[dreg:$0x4] =	wrdreg s24  }
0xb2: {  	[dreg:$0x5] =	wrdreg $0x9  }
0xb3: {  	_ =	task.clear_ibuf [dreg:s8], $0x6FFFF;
	_ =	strace $0x90000046  }
0xb4: {  	s29 =	simm.s32 $0x9;
	_ =	strace $0x80000048  }
0xb5: {  	_ =	swait.ge [sflag:s29], $0x1  }
0xb6: {  	[sflag:s29] =	ssyncadd.s32 $0xFFFFFFFF  }
0xb7: {  	_ =	strace $0x90000048  }
0xb8: {  	_ =	sfence  }
0xb9: {  	s30 =	sld [smem:$0x0];
	_ =	sdelay $0x2  }
0xba: {  	s31 =	sshll.u32 s1, $0xD;
	s1 =	sshrl.u32 s1, $0x2  }
0xbb: {  	s3 =	sand.u32 $0x4000, s31;
	s1 =	sadd.s32 s1, s30  }
0xbc: {  	s0 =	sor.u32 s3, s0;
	s1 =	sshll.u32 s1, $0x11  }
0xbd: {  	s0 =	sor.u32 s1, s0  }
0xbe: {  	s0 =	sadd.s32 $0x8F2B, s0  }
0xbf: {  	[sflag:s0] =	ssyncadd.remote.s32 $0x1  }
0xc0: {  	_ =	sfence.sel $0xFFFF  }
0xc1: {  	[dreg:$0x0] =	wrdreg $0xFFFFFFFF;
	(pc) =	sbr.abs _section_cstart, $3  }
0xc2: {  	[dreg:$0x1] =	wrdreg $0xFFFFFFFF  }
0xc3: {  	_ =	task.clear_ibuf [dreg:s8], $0x2FFFF;
	_ =	strace $0x9FFFFFFF  }
0xc4: {  	(tm) =	ssettm $0x7FFFFFFF  }
0xc5: {  	_ =	shalt  }
tec
execute0_lowered:
.L_overlay_start_1:
0x0: {  	(tag) =	ssettag $0x1  }
0x1: {  	s1 =	rddreg [dreg:$0x0]  }
0x2: {  	s4 =	rddreg [dreg:$0x1]  }
0x3: {  	s2 =	rddreg [dreg:$0x2];
	s0 =	srdreg.scid;
	s3 =	simm.s32 $0x0  }
0x4: {  	s8 =	stileid.u32;
	s26 =	simm.s32 $0xA00;
	s9 =	simm.s32 $0x1A00  }
0x5: {  	s10 =	simm.s32 $0x2200;
	s11 =	simm.s32 $0x2A00;
	s12 =	simm.s32 $0x3200  }
0x6: {  	[smem:$0x7FF] =	sst s3;
	s6 =	sshll.u32 s8, $0x13;
	s24 =	sshll.u32 s8, $0xA  }
0x7: {  	s8 =	simm.s32 $0x1200;
	_ =	strace $0x80000047;
	[dreg:$0x4] =	wrdreg s26  }
0x8: {  	s13 =	simm.s32 $0x3A00;
	s14 =	simm.s32 $0x4200;
	[dreg:$0x5] =	wrdreg s8  }
0x9: {  	s15 =	simm.s32 $0x4A00;
	s16 =	simm.s32 $0x5200;
	[dreg:$0x6] =	wrdreg s9  }
0xa: {  	s17 =	simm.s32 $0x5A00;
	s18 =	simm.s32 $0x6200;
	[dreg:$0x7] =	wrdreg s10  }
0xb: {  	s19 =	simm.s32 $0x6A00;
	s21 =	simm.s32 $0x7200;
	[dreg:$0x8] =	wrdreg s11  }
0xc: {  	s22 =	simm.s32 $0x7A00;
	s23 =	simm.s32 $0x8200;
	[dreg:$0x9] =	wrdreg s12  }
0xd: {  	s28 =	simm.s32 $0xEA00;
	s29 =	simm.s32 $0xF200;
	[dreg:$0xa] =	wrdreg s13  }
0xe: {  	s30 =	simm.s32 $0xFA00;
	s0 =	sand.u32 $0x1, s0;
	[dreg:$0xb] =	wrdreg s14  }
0xf: {  	s31 =	simm.s32 $0x1;
	s5 =	ssub.s32 $0x2, s0;
	[dreg:$0xc] =	wrdreg s15  }
0x10: {  	s2 =	sadd.s32 s6, s2;
	s25 =	sshll.u32 s0, $0x9;
	[dreg:$0xd] =	wrdreg s16  }
0x11: {  	s6 =	sadd.s32 $0x100, s1;
	s8 =	sadd.s32 $0x200, s1;
	[dreg:$0xe] =	wrdreg s17  }
0x12: {  	s9 =	sadd.s32 $0x280, s1;
	s10 =	sadd.s32 $0x300, s1;
	[dreg:$0xf] =	wrdreg s18  }
0x13: {  	s11 =	sadd.s32 $0x380, s1;
	s12 =	sadd.s32 $0x400, s1;
	[dreg:$0x10] =	wrdreg s19  }
0x14: {  	s13 =	sadd.s32 $0x480, s1;
	s14 =	sadd.s32 $0x500, s1;
	[dreg:$0x11] =	wrdreg s21  }
0x15: {  	s15 =	sadd.s32 $0x580, s1;
	s16 =	sadd.s32 $0x600, s1;
	[dreg:$0x12] =	wrdreg s22  }
0x16: {  	s17 =	sadd.s32 $0x680, s1;
	[dreg:$0x13] =	wrdreg s23;
	s26 =	simm.s32 $0x9A00  }
0x17: {  	s18 =	sadd.s32 $0x700, s1;
	s21 =	simm.s32 $0xA200;
	[dreg:$0x16] =	wrdreg s26  }
0x18: {  	s19 =	sadd.s32 $0x780, s1;
	s22 =	simm.s32 $0xAA00;
	[dreg:$0x17] =	wrdreg s21  }
0x19: {  	s0 =	sshll.u32 s0, $0x12;
	s23 =	simm.s32 $0xB200;
	[dreg:$0x18] =	wrdreg s22  }
0x1a: {  	s7 =	sshrl.u32 s5, $0x1;
	s0 =	sadd.s32 s0, s2;
	[dreg:$0x19] =	wrdreg s23  }
0x1b: {  	s22 =	simm.s32 $0x2;
	s26 =	simm.s32 $0xCA00;
	s20 =	ssub.s32 s5, s7  }
0x1c: {  	s5 =	sor.u32 s25, s24;
	s24 =	simm.s32 $0x8A00;
	[dreg:$0x1c] =	wrdreg s26  }
0x1d: {  	s23 =	simm.s32 $0x200;
	s25 =	simm.s32 $0x9200;
	[dreg:$0x14] =	wrdreg s24  }
0x1e: {  	s2 =	simm.s32 $0x0;
	s0 =	sadd.s32 $0x800, s0;
	[dreg:$0x15] =	wrdreg s25  }
0x1f: {  	s7 =	sadd.s32 $0x180, s1;
	s20 =	smax.u32 s20, $0x1;
	[dreg:$0x1f] =	wrdreg s0  }
0x20: {  	s26 =	simm.s32 $0xE200;
	s24 =	simm.s32 $0xBA00;
	[dreg:$0x1e] =	wrdreg s20  }
0x21: {  	v2 =	vlaneseq.u32;
	s5 =	sshrl.u32 s5, $0x3;
	s25 =	simm.s32 $0xC200;
	[dreg:$0x1a] =	wrdreg s24  }
0x22: {  	vm0 =	vmmov $0xffff;
	v1 =	vshrl.u32 v2, $0x3;
	s4 =	sadd.s32 s4, s5;
	s5 =	sadd.s32 $0x80, s1;
	[dreg:$0x1b] =	wrdreg s25  }
0x23: {  	v0 =	vand.u32 $0x7, v2;
	v2 =	vor.u32 $0x8, v2;
	v1 =	vmul.u32 $0x4, v1;
	s24 =	simm.s32 $0xD200;
	s25 =	simm.s32 $0xDA00;
	[dreg:$0x1d] =	wrdreg s4  }
.LBB2_1:
0x24: {  	[smem:$0x7FD] =	sst s2  }
0x25: {  	s0 =	rddreg [dreg:$0x1d]  }
0x26: {  	[tilespmem:s3], [sflag:$0x2] =	stream.linear.gather [hbm4b:s0+s3], $0x200, $0x38;
	[tilespmem:$0x10200] =	vst v63  }
0x27: {  	_ =	swait.ge [sflag:s22], $0x200  }
0x28: {  	[sflag:s22] =	ssyncset.done $0x0  }
0x29: {  	s20 =	simm.s32 $0x0;
	[sflag:s22] =	ssyncadd.s32 $0xFFFFFE00  }
0x2a: {  	v3 =	vld [tilespmem:s20+$0x0];
	_ =	sdelay $0x4  }
0x2b: {  	v4 =	vshll.u32 v3, $0x5  }
0x2c: {  	v3 =	vand.u32 $0x3, v3;
	v4 =	vand.u32 $0xFFFFFF80, v4  }
0x2d: {  	v3 =	vor.u32 v3, v4  }
0x2e: {  	v4 =	vperm.xlane v3, v0;
	_ =	sdelay $0x1  }
0x2f: {  	v4 =	vadd.s32 v1, v4;
	_ =	sdelay $0x4  }
0x30: {  	[tilespmem:s23], [sflag:$0x1] =	stream.indirect_vreg.gather [hbm4b:s1+s3], $0x80, v4, vm0, $0xb8;
	[tilespmem:$0x10200] =	vst v63  }
0x31: {  	s21 =	rddreg [dreg:$0x4]  }
0x32: {  	[tilespmem:s21], [sflag:$0x1] =	stream.indirect_vreg.gather [hbm4b:s5+s3], $0x80, v4, vm0, $0xb8;
	[tilespmem:$0x10200] =	vst v63  }
0x33: {  	s4 =	rddreg [dreg:$0x5]  }
0x34: {  	[tilespmem:s4], [sflag:$0x1] =	stream.indirect_vreg.gather [hbm4b:s6+s3], $0x80, v4, vm0, $0xb8;
	[tilespmem:$0x10200] =	vst v63  }
0x35: {  	s0 =	rddreg [dreg:$0x6]  }
0x36: {  	[tilespmem:s0], [sflag:$0x1] =	stream.indirect_vreg.gather [hbm4b:s7+s3], $0x80, v4, vm0, $0xb8;
	[tilespmem:$0x10200] =	vst v63  }
0x37: {  	s20 =	rddreg [dreg:$0x7]  }
0x38: {  	[tilespmem:s20], [sflag:$0x1] =	stream.indirect_vreg.gather [hbm4b:s8+s3], $0x80, v4, vm0, $0xb8;
	[tilespmem:$0x10200] =	vst v63  }
0x39: {  	s21 =	rddreg [dreg:$0x8]  }
0x3a: {  	[tilespmem:s21], [sflag:$0x1] =	stream.indirect_vreg.gather [hbm4b:s9+s3], $0x80, v4, vm0, $0xb8;
	[tilespmem:$0x10200] =	vst v63  }
0x3b: {  	s0 =	rddreg [dreg:$0x9]  }
0x3c: {  	[tilespmem:s0], [sflag:$0x1] =	stream.indirect_vreg.gather [hbm4b:s10+s3], $0x80, v4, vm0, $0xb8;
	[tilespmem:$0x10200] =	vst v63  }
0x3d: {  	s20 =	rddreg [dreg:$0xa]  }
0x3e: {  	[tilespmem:s20], [sflag:$0x1] =	stream.indirect_vreg.gather [hbm4b:s11+s3], $0x80, v4, vm0, $0xb8;
	[tilespmem:$0x10200] =	vst v63  }
0x3f: {  	s21 =	rddreg [dreg:$0xb]  }
0x40: {  	[tilespmem:s21], [sflag:$0x1] =	stream.indirect_vreg.gather [hbm4b:s12+s3], $0x80, v4, vm0, $0xb8;
	[tilespmem:$0x10200] =	vst v63  }
0x41: {  	s0 =	rddreg [dreg:$0xc]  }
0x42: {  	[tilespmem:s0], [sflag:$0x1] =	stream.indirect_vreg.gather [hbm4b:s13+s3], $0x80, v4, vm0, $0xb8;
	[tilespmem:$0x10200] =	vst v63  }
0x43: {  	s20 =	rddreg [dreg:$0xd]  }
0x44: {  	[tilespmem:s20], [sflag:$0x1] =	stream.indirect_vreg.gather [hbm4b:s14+s3], $0x80, v4, vm0, $0xb8;
	[tilespmem:$0x10200] =	vst v63  }
0x45: {  	s21 =	rddreg [dreg:$0xe]  }
0x46: {  	[tilespmem:s21], [sflag:$0x1] =	stream.indirect_vreg.gather [hbm4b:s15+s3], $0x80, v4, vm0, $0xb8;
	[tilespmem:$0x10200] =	vst v63  }
0x47: {  	s0 =	rddreg [dreg:$0xf]  }
0x48: {  	[tilespmem:s0], [sflag:$0x1] =	stream.indirect_vreg.gather [hbm4b:s16+s3], $0x80, v4, vm0, $0xb8;
	[tilespmem:$0x10200] =	vst v63  }
0x49: {  	v3 =	vperm.xlane v3, v2;
	s20 =	rddreg [dreg:$0x10]  }
0x4a: {  	[tilespmem:s20], [sflag:$0x1] =	stream.indirect_vreg.gather [hbm4b:s17+s3], $0x80, v4, vm0, $0xb8;
	[tilespmem:$0x10200] =	vst v63  }
0x4b: {  	v3 =	vadd.s32 v1, v3;
	s21 =	rddreg [dreg:$0x11]  }
0x4c: {  	[tilespmem:s21], [sflag:$0x1] =	stream.indirect_vreg.gather [hbm4b:s18+s3], $0x80, v4, vm0, $0xb8;
	[tilespmem:$0x10200] =	vst v63  }
0x4d: {  	s0 =	rddreg [dreg:$0x12]  }
0x4e: {  	[tilespmem:s0], [sflag:$0x1] =	stream.indirect_vreg.gather [hbm4b:s19+s3], $0x80, v4, vm0, $0xb8;
	[tilespmem:$0x10200] =	vst v63  }
0x4f: {  	s20 =	rddreg [dreg:$0x13]  }
0x50: {  	[tilespmem:s20], [sflag:$0x1] =	stream.indirect_vreg.gather [hbm4b:s1+s3], $0x80, v3, vm0, $0xb8;
	[tilespmem:$0x10200] =	vst v63  }
0x51: {  	s21 =	rddreg [dreg:$0x14]  }
0x52: {  	[tilespmem:s21], [sflag:$0x1] =	stream.indirect_vreg.gather [hbm4b:s5+s3], $0x80, v3, vm0, $0xb8;
	[tilespmem:$0x10200] =	vst v63  }
0x53: {  	s0 =	rddreg [dreg:$0x15]  }
0x54: {  	[tilespmem:s0], [sflag:$0x1] =	stream.indirect_vreg.gather [hbm4b:s6+s3], $0x80, v3, vm0, $0xb8;
	[tilespmem:$0x10200] =	vst v63  }
0x55: {  	s20 =	rddreg [dreg:$0x16]  }
0x56: {  	[tilespmem:s20], [sflag:$0x1] =	stream.indirect_vreg.gather [hbm4b:s7+s3], $0x80, v3, vm0, $0xb8;
	[tilespmem:$0x10200] =	vst v63  }
0x57: {  	s21 =	rddreg [dreg:$0x17]  }
0x58: {  	[tilespmem:s21], [sflag:$0x1] =	stream.indirect_vreg.gather [hbm4b:s8+s3], $0x80, v3, vm0, $0xb8;
	[tilespmem:$0x10200] =	vst v63  }
0x59: {  	s0 =	rddreg [dreg:$0x18]  }
0x5a: {  	[tilespmem:s0], [sflag:$0x1] =	stream.indirect_vreg.gather [hbm4b:s9+s3], $0x80, v3, vm0, $0xb8;
	[tilespmem:$0x10200] =	vst v63  }
0x5b: {  	s20 =	rddreg [dreg:$0x19]  }
0x5c: {  	[tilespmem:s20], [sflag:$0x1] =	stream.indirect_vreg.gather [hbm4b:s10+s3], $0x80, v3, vm0, $0xb8;
	[tilespmem:$0x10200] =	vst v63  }
0x5d: {  	s21 =	rddreg [dreg:$0x1a]  }
0x5e: {  	[tilespmem:s21], [sflag:$0x1] =	stream.indirect_vreg.gather [hbm4b:s11+s3], $0x80, v3, vm0, $0xb8;
	[tilespmem:$0x10200] =	vst v63  }
0x5f: {  	s0 =	rddreg [dreg:$0x1b]  }
0x60: {  	[tilespmem:s0], [sflag:$0x1] =	stream.indirect_vreg.gather [hbm4b:s12+s3], $0x80, v3, vm0, $0xb8;
	[tilespmem:$0x10200] =	vst v63  }
0x61: {  	s20 =	rddreg [dreg:$0x1c]  }
0x62: {  	[tilespmem:s20], [sflag:$0x1] =	stream.indirect_vreg.gather [hbm4b:s13+s3], $0x80, v3, vm0, $0xb8;
	[tilespmem:$0x10200] =	vst v63  }
0x63: {  	_ = 	snop  }
0x64: {  	[tilespmem:s24], [sflag:$0x1] =	stream.indirect_vreg.gather [hbm4b:s14+s3], $0x80, v3, vm0, $0xb8;
	[tilespmem:$0x10200] =	vst v63  }
0x65: {  	_ = 	snop  }
0x66: {  	[tilespmem:s25], [sflag:$0x1] =	stream.indirect_vreg.gather [hbm4b:s15+s3], $0x80, v3, vm0, $0xb8;
	[tilespmem:$0x10200] =	vst v63  }
0x67: {  	_ = 	snop  }
0x68: {  	[tilespmem:s26], [sflag:$0x1] =	stream.indirect_vreg.gather [hbm4b:s16+s3], $0x80, v3, vm0, $0xb8;
	[tilespmem:$0x10200] =	vst v63  }
0x69: {  	_ = 	snop  }
0x6a: {  	[tilespmem:s28], [sflag:$0x1] =	stream.indirect_vreg.gather [hbm4b:s17+s3], $0x80, v3, vm0, $0xb8;
	[tilespmem:$0x10200] =	vst v63  }
0x6b: {  	_ = 	snop  }
0x6c: {  	[tilespmem:s29], [sflag:$0x1] =	stream.indirect_vreg.gather [hbm4b:s18+s3], $0x80, v3, vm0, $0xb8;
	[tilespmem:$0x10200] =	vst v63  }
0x6d: {  	_ = 	snop  }
0x6e: {  	[tilespmem:s30], [sflag:$0x1] =	stream.indirect_vreg.gather [hbm4b:s19+s3], $0x80, v3, vm0, $0xb8;
	[tilespmem:$0x10200] =	vst v63  }
0x6f: {  	_ =	swait.ge [sflag:s31], $0x10000  }
0x70: {  	[sflag:s31] =	ssyncset.done $0x0  }
0x71: {  	s21 =	rddreg [dreg:$0x1f];
	[sflag:s31] =	ssyncadd.s32 $0xFFFF0000  }
0x72: {  	[hbm4b:s21+s3] =	stream.linear.scatter [tilespmem:s23], [sflag:$0x2], $0x10000, $0x38;
	[tilespmem:$0x10200] =	vst v63  }
0x73: {  	s4 =	simm.s32 $0x40;
	_ =	swait.ge [sflag:s22], $0x10000  }
0x74: {  	s20 =	simm.s32 $0x80;
	s2 =	sadd.s32 $0x2000, s21;
	[sflag:s22] =	ssyncset.done $0x0  }
.LBB2_2:
0x75: {  	s0 =	sshra.s32 s4, $0x2;
	[sflag:s22] =	ssyncadd.s32 $0xFFFF0000  }
0x76: {  	v3 =	vld [tilespmem:s0+$0x0];
	_ =	sdelay $0x4  }
0x77: {  	v4 =	vshll.u32 v3, $0x5  }
0x78: {  	v3 =	vand.u32 $0x3, v3;
	v4 =	vand.u32 $0xFFFFFF80, v4  }
0x79: {  	v3 =	vor.u32 v3, v4  }
0x7a: {  	v4 =	vperm.xlane v3, v0;
	_ =	sdelay $0x1  }
0x7b: {  	v4 =	vadd.s32 v1, v4;
	_ =	sdelay $0x4  }
0x7c: {  	[tilespmem:s23], [sflag:$0x1] =	stream.indirect_vreg.gather [hbm4b:s1+s3], $0x80, v4, vm0, $0xb8;
	[tilespmem:$0x10200] =	vst v63  }
0x7d: {  	s4 =	smov.u32 s20;
	s0 =	rddreg [dreg:$0x4]  }
0x7e: {  	[tilespmem:s0], [sflag:$0x1] =	stream.indirect_vreg.gather [hbm4b:s5+s3], $0x80, v4, vm0, $0xb8;
	[tilespmem:$0x10200] =	vst v63  }
0x7f: {  	s21 =	sadd.s32 $0x40, s20;
	p0 =	sne.s32 s20, $0x7C0;
	s20 =	rddreg [dreg:$0x5]  }
0x80: {  	[tilespmem:s20], [sflag:$0x1] =	stream.indirect_vreg.gather [hbm4b:s6+s3], $0x80, v4, vm0, $0xb8;
	[tilespmem:$0x10200] =	vst v63  }
0x81: {  	s0 =	rddreg [dreg:$0x6]  }
0x82: {  	[tilespmem:s0], [sflag:$0x1] =	stream.indirect_vreg.gather [hbm4b:s7+s3], $0x80, v4, vm0, $0xb8;
	[tilespmem:$0x10200] =	vst v63  }
0x83: {  	s20 =	rddreg [dreg:$0x7]  }
0x84: {  	[tilespmem:s20], [sflag:$0x1] =	stream.indirect_vreg.gather [hbm4b:s8+s3], $0x80, v4, vm0, $0xb8;
	[tilespmem:$0x10200] =	vst v63  }
0x85: {  	s0 =	rddreg [dreg:$0x8]  }
0x86: {  	[tilespmem:s0], [sflag:$0x1] =	stream.indirect_vreg.gather [hbm4b:s9+s3], $0x80, v4, vm0, $0xb8;
	[tilespmem:$0x10200] =	vst v63  }
0x87: {  	s20 =	rddreg [dreg:$0x9]  }
0x88: {  	[tilespmem:s20], [sflag:$0x1] =	stream.indirect_vreg.gather [hbm4b:s10+s3], $0x80, v4, vm0, $0xb8;
	[tilespmem:$0x10200] =	vst v63  }
0x89: {  	s0 =	rddreg [dreg:$0xa]  }
0x8a: {  	[tilespmem:s0], [sflag:$0x1] =	stream.indirect_vreg.gather [hbm4b:s11+s3], $0x80, v4, vm0, $0xb8;
	[tilespmem:$0x10200] =	vst v63  }
0x8b: {  	s20 =	rddreg [dreg:$0xb]  }
0x8c: {  	[tilespmem:s20], [sflag:$0x1] =	stream.indirect_vreg.gather [hbm4b:s12+s3], $0x80, v4, vm0, $0xb8;
	[tilespmem:$0x10200] =	vst v63  }
0x8d: {  	s0 =	rddreg [dreg:$0xc]  }
0x8e: {  	[tilespmem:s0], [sflag:$0x1] =	stream.indirect_vreg.gather [hbm4b:s13+s3], $0x80, v4, vm0, $0xb8;
	[tilespmem:$0x10200] =	vst v63  }
0x8f: {  	s20 =	rddreg [dreg:$0xd]  }
0x90: {  	[tilespmem:s20], [sflag:$0x1] =	stream.indirect_vreg.gather [hbm4b:s14+s3], $0x80, v4, vm0, $0xb8;
	[tilespmem:$0x10200] =	vst v63  }
0x91: {  	s0 =	rddreg [dreg:$0xe]  }
0x92: {  	[tilespmem:s0], [sflag:$0x1] =	stream.indirect_vreg.gather [hbm4b:s15+s3], $0x80, v4, vm0, $0xb8;
	[tilespmem:$0x10200] =	vst v63  }
0x93: {  	s20 =	rddreg [dreg:$0xf]  }
0x94: {  	[tilespmem:s20], [sflag:$0x1] =	stream.indirect_vreg.gather [hbm4b:s16+s3], $0x80, v4, vm0, $0xb8;
	[tilespmem:$0x10200] =	vst v63  }
0x95: {  	v3 =	vperm.xlane v3, v2;
	s0 =	rddreg [dreg:$0x10]  }
0x96: {  	[tilespmem:s0], [sflag:$0x1] =	stream.indirect_vreg.gather [hbm4b:s17+s3], $0x80, v4, vm0, $0xb8;
	[tilespmem:$0x10200] =	vst v63  }
0x97: {  	v3 =	vadd.s32 v1, v3;
	s20 =	rddreg [dreg:$0x11]  }
0x98: {  	[tilespmem:s20], [sflag:$0x1] =	stream.indirect_vreg.gather [hbm4b:s18+s3], $0x80, v4, vm0, $0xb8;
	[tilespmem:$0x10200] =	vst v63  }
0x99: {  	s0 =	rddreg [dreg:$0x12]  }
0x9a: {  	[tilespmem:s0], [sflag:$0x1] =	stream.indirect_vreg.gather [hbm4b:s19+s3], $0x80, v4, vm0, $0xb8;
	[tilespmem:$0x10200] =	vst v63  }
0x9b: {  	s20 =	rddreg [dreg:$0x13]  }
0x9c: {  	[tilespmem:s20], [sflag:$0x1] =	stream.indirect_vreg.gather [hbm4b:s1+s3], $0x80, v3, vm0, $0xb8;
	[tilespmem:$0x10200] =	vst v63  }
0x9d: {  	s0 =	rddreg [dreg:$0x14]  }
0x9e: {  	[tilespmem:s0], [sflag:$0x1] =	stream.indirect_vreg.gather [hbm4b:s5+s3], $0x80, v3, vm0, $0xb8;
	[tilespmem:$0x10200] =	vst v63  }
0x9f: {  	s20 =	rddreg [dreg:$0x15]  }
0xa0: {  	[tilespmem:s20], [sflag:$0x1] =	stream.indirect_vreg.gather [hbm4b:s6+s3], $0x80, v3, vm0, $0xb8;
	[tilespmem:$0x10200] =	vst v63  }
0xa1: {  	s0 =	rddreg [dreg:$0x16]  }
0xa2: {  	[tilespmem:s0], [sflag:$0x1] =	stream.indirect_vreg.gather [hbm4b:s7+s3], $0x80, v3, vm0, $0xb8;
	[tilespmem:$0x10200] =	vst v63  }
0xa3: {  	s20 =	rddreg [dreg:$0x17]  }
0xa4: {  	[tilespmem:s20], [sflag:$0x1] =	stream.indirect_vreg.gather [hbm4b:s8+s3], $0x80, v3, vm0, $0xb8;
	[tilespmem:$0x10200] =	vst v63  }
0xa5: {  	s0 =	rddreg [dreg:$0x18]  }
0xa6: {  	[tilespmem:s0], [sflag:$0x1] =	stream.indirect_vreg.gather [hbm4b:s9+s3], $0x80, v3, vm0, $0xb8;
	[tilespmem:$0x10200] =	vst v63  }
0xa7: {  	s20 =	rddreg [dreg:$0x19]  }
0xa8: {  	[tilespmem:s20], [sflag:$0x1] =	stream.indirect_vreg.gather [hbm4b:s10+s3], $0x80, v3, vm0, $0xb8;
	[tilespmem:$0x10200] =	vst v63  }
0xa9: {  	s0 =	rddreg [dreg:$0x1a]  }
0xaa: {  	[tilespmem:s0], [sflag:$0x1] =	stream.indirect_vreg.gather [hbm4b:s11+s3], $0x80, v3, vm0, $0xb8;
	[tilespmem:$0x10200] =	vst v63  }
0xab: {  	s20 =	rddreg [dreg:$0x1b]  }
0xac: {  	[tilespmem:s20], [sflag:$0x1] =	stream.indirect_vreg.gather [hbm4b:s12+s3], $0x80, v3, vm0, $0xb8;
	[tilespmem:$0x10200] =	vst v63  }
0xad: {  	s0 =	rddreg [dreg:$0x1c]  }
0xae: {  	[tilespmem:s0], [sflag:$0x1] =	stream.indirect_vreg.gather [hbm4b:s13+s3], $0x80, v3, vm0, $0xb8;
	[tilespmem:$0x10200] =	vst v63  }
0xaf: {  	_ = 	snop  }
0xb0: {  	[tilespmem:s24], [sflag:$0x1] =	stream.indirect_vreg.gather [hbm4b:s14+s3], $0x80, v3, vm0, $0xb8;
	[tilespmem:$0x10200] =	vst v63  }
0xb1: {  	_ = 	snop  }
0xb2: {  	[tilespmem:s25], [sflag:$0x1] =	stream.indirect_vreg.gather [hbm4b:s15+s3], $0x80, v3, vm0, $0xb8;
	[tilespmem:$0x10200] =	vst v63  }
0xb3: {  	_ = 	snop  }
0xb4: {  	[tilespmem:s26], [sflag:$0x1] =	stream.indirect_vreg.gather [hbm4b:s16+s3], $0x80, v3, vm0, $0xb8;
	[tilespmem:$0x10200] =	vst v63  }
0xb5: {  	_ = 	snop  }
0xb6: {  	[tilespmem:s28], [sflag:$0x1] =	stream.indirect_vreg.gather [hbm4b:s17+s3], $0x80, v3, vm0, $0xb8;
	[tilespmem:$0x10200] =	vst v63  }
0xb7: {  	_ = 	snop  }
0xb8: {  	[tilespmem:s29], [sflag:$0x1] =	stream.indirect_vreg.gather [hbm4b:s18+s3], $0x80, v3, vm0, $0xb8;
	[tilespmem:$0x10200] =	vst v63  }
0xb9: {  	_ = 	snop  }
0xba: {  	[tilespmem:s30], [sflag:$0x1] =	stream.indirect_vreg.gather [hbm4b:s19+s3], $0x80, v3, vm0, $0xb8;
	[tilespmem:$0x10200] =	vst v63  }
0xbb: {  	_ =	swait.ge [sflag:s31], $0x10000  }
.Ltmp0:
0xbc: {  	[sflag:s31] =	ssyncset.done $0x0;
	(pc) =	sbr.rel @p0 .LBB2_2-.Ltmp0, $4  }
0xbd: {  	[sflag:s31] =	ssyncadd.s32 $0xFFFF0000  }
0xbe: {  	[hbm4b:s2+s3] =	stream.linear.scatter [tilespmem:s23], [sflag:$0x2], $0x10000, $0x38;
	[tilespmem:$0x10200] =	vst v63  }
0xbf: {  	_ =	swait.ge [sflag:s22], $0x10000  }
0xc0: {  	s20 =	smov.u32 s21;
	s2 =	sadd.s32 $0x2000, s2;
	[sflag:s22] =	ssyncset.done $0x0  }
0xc1: {  	s0 =	sshra.s32 s4, $0x2;
	[sflag:s22] =	ssyncadd.s32 $0xFFFF0000  }
0xc2: {  	v3 =	vld [tilespmem:s0+$0x0];
	_ =	sdelay $0x4  }
0xc3: {  	v4 =	vshll.u32 v3, $0x5  }
0xc4: {  	v3 =	vand.u32 $0x3, v3;
	v4 =	vand.u32 $0xFFFFFF80, v4  }
0xc5: {  	v3 =	vor.u32 v3, v4  }
0xc6: {  	v4 =	vperm.xlane v3, v0;
	_ =	sdelay $0x1  }
0xc7: {  	v4 =	vadd.s32 v1, v4;
	_ =	sdelay $0x4  }
0xc8: {  	[tilespmem:s23], [sflag:$0x1] =	stream.indirect_vreg.gather [hbm4b:s1+s3], $0x80, v4, vm0, $0xb8;
	[tilespmem:$0x10200] =	vst v63  }
0xc9: {  	s4 =	rddreg [dreg:$0x4]  }
0xca: {  	[tilespmem:s4], [sflag:$0x1] =	stream.indirect_vreg.gather [hbm4b:s5+s3], $0x80, v4, vm0, $0xb8;
	[tilespmem:$0x10200] =	vst v63  }
0xcb: {  	s20 =	rddreg [dreg:$0x5]  }
0xcc: {  	[tilespmem:s20], [sflag:$0x1] =	stream.indirect_vreg.gather [hbm4b:s6+s3], $0x80, v4, vm0, $0xb8;
	[tilespmem:$0x10200] =	vst v63  }
0xcd: {  	s21 =	rddreg [dreg:$0x6]  }
0xce: {  	[tilespmem:s21], [sflag:$0x1] =	stream.indirect_vreg.gather [hbm4b:s7+s3], $0x80, v4, vm0, $0xb8;
	[tilespmem:$0x10200] =	vst v63  }
0xcf: {  	s20 =	rddreg [dreg:$0x7]  }
0xd0: {  	[tilespmem:s20], [sflag:$0x1] =	stream.indirect_vreg.gather [hbm4b:s8+s3], $0x80, v4, vm0, $0xb8;
	[tilespmem:$0x10200] =	vst v63  }
0xd1: {  	s21 =	rddreg [dreg:$0x8]  }
0xd2: {  	[tilespmem:s21], [sflag:$0x1] =	stream.indirect_vreg.gather [hbm4b:s9+s3], $0x80, v4, vm0, $0xb8;
	[tilespmem:$0x10200] =	vst v63  }
0xd3: {  	s20 =	rddreg [dreg:$0x9]  }
0xd4: {  	[tilespmem:s20], [sflag:$0x1] =	stream.indirect_vreg.gather [hbm4b:s10+s3], $0x80, v4, vm0, $0xb8;
	[tilespmem:$0x10200] =	vst v63  }
0xd5: {  	s21 =	rddreg [dreg:$0xa]  }
0xd6: {  	[tilespmem:s21], [sflag:$0x1] =	stream.indirect_vreg.gather [hbm4b:s11+s3], $0x80, v4, vm0, $0xb8;
	[tilespmem:$0x10200] =	vst v63  }
0xd7: {  	s20 =	rddreg [dreg:$0xb]  }
0xd8: {  	[tilespmem:s20], [sflag:$0x1] =	stream.indirect_vreg.gather [hbm4b:s12+s3], $0x80, v4, vm0, $0xb8;
	[tilespmem:$0x10200] =	vst v63  }
0xd9: {  	s21 =	rddreg [dreg:$0xc]  }
0xda: {  	[tilespmem:s21], [sflag:$0x1] =	stream.indirect_vreg.gather [hbm4b:s13+s3], $0x80, v4, vm0, $0xb8;
	[tilespmem:$0x10200] =	vst v63  }
0xdb: {  	s20 =	rddreg [dreg:$0xd]  }
0xdc: {  	[tilespmem:s20], [sflag:$0x1] =	stream.indirect_vreg.gather [hbm4b:s14+s3], $0x80, v4, vm0, $0xb8;
	[tilespmem:$0x10200] =	vst v63  }
0xdd: {  	s21 =	rddreg [dreg:$0xe]  }
0xde: {  	[tilespmem:s21], [sflag:$0x1] =	stream.indirect_vreg.gather [hbm4b:s15+s3], $0x80, v4, vm0, $0xb8;
	[tilespmem:$0x10200] =	vst v63  }
0xdf: {  	s20 =	rddreg [dreg:$0xf]  }
0xe0: {  	[tilespmem:s20], [sflag:$0x1] =	stream.indirect_vreg.gather [hbm4b:s16+s3], $0x80, v4, vm0, $0xb8;
	[tilespmem:$0x10200] =	vst v63  }
0xe1: {  	v3 =	vperm.xlane v3, v2;
	s21 =	rddreg [dreg:$0x10]  }
0xe2: {  	[tilespmem:s21], [sflag:$0x1] =	stream.indirect_vreg.gather [hbm4b:s17+s3], $0x80, v4, vm0, $0xb8;
	[tilespmem:$0x10200] =	vst v63  }
0xe3: {  	v3 =	vadd.s32 v1, v3;
	s20 =	rddreg [dreg:$0x11]  }
0xe4: {  	[tilespmem:s20], [sflag:$0x1] =	stream.indirect_vreg.gather [hbm4b:s18+s3], $0x80, v4, vm0, $0xb8;
	[tilespmem:$0x10200] =	vst v63  }
0xe5: {  	s21 =	rddreg [dreg:$0x12]  }
0xe6: {  	[tilespmem:s21], [sflag:$0x1] =	stream.indirect_vreg.gather [hbm4b:s19+s3], $0x80, v4, vm0, $0xb8;
	[tilespmem:$0x10200] =	vst v63  }
0xe7: {  	s20 =	rddreg [dreg:$0x13]  }
0xe8: {  	[tilespmem:s20], [sflag:$0x1] =	stream.indirect_vreg.gather [hbm4b:s1+s3], $0x80, v3, vm0, $0xb8;
	[tilespmem:$0x10200] =	vst v63  }
0xe9: {  	s21 =	rddreg [dreg:$0x14]  }
0xea: {  	[tilespmem:s21], [sflag:$0x1] =	stream.indirect_vreg.gather [hbm4b:s5+s3], $0x80, v3, vm0, $0xb8;
	[tilespmem:$0x10200] =	vst v63  }
0xeb: {  	s20 =	rddreg [dreg:$0x15]  }
0xec: {  	[tilespmem:s20], [sflag:$0x1] =	stream.indirect_vreg.gather [hbm4b:s6+s3], $0x80, v3, vm0, $0xb8;
	[tilespmem:$0x10200] =	vst v63  }
0xed: {  	s21 =	rddreg [dreg:$0x16]  }
0xee: {  	[tilespmem:s21], [sflag:$0x1] =	stream.indirect_vreg.gather [hbm4b:s7+s3], $0x80, v3, vm0, $0xb8;
	[tilespmem:$0x10200] =	vst v63  }
0xef: {  	s20 =	rddreg [dreg:$0x17]  }
0xf0: {  	[tilespmem:s20], [sflag:$0x1] =	stream.indirect_vreg.gather [hbm4b:s8+s3], $0x80, v3, vm0, $0xb8;
	[tilespmem:$0x10200] =	vst v63  }
0xf1: {  	s21 =	rddreg [dreg:$0x18]  }
0xf2: {  	[tilespmem:s21], [sflag:$0x1] =	stream.indirect_vreg.gather [hbm4b:s9+s3], $0x80, v3, vm0, $0xb8;
	[tilespmem:$0x10200] =	vst v63  }
0xf3: {  	s20 =	rddreg [dreg:$0x19]  }
0xf4: {  	[tilespmem:s20], [sflag:$0x1] =	stream.indirect_vreg.gather [hbm4b:s10+s3], $0x80, v3, vm0, $0xb8;
	[tilespmem:$0x10200] =	vst v63  }
0xf5: {  	s21 =	rddreg [dreg:$0x1a]  }
0xf6: {  	[tilespmem:s21], [sflag:$0x1] =	stream.indirect_vreg.gather [hbm4b:s11+s3], $0x80, v3, vm0, $0xb8;
	[tilespmem:$0x10200] =	vst v63  }
0xf7: {  	s20 =	rddreg [dreg:$0x1b]  }
0xf8: {  	[tilespmem:s20], [sflag:$0x1] =	stream.indirect_vreg.gather [hbm4b:s12+s3], $0x80, v3, vm0, $0xb8;
	[tilespmem:$0x10200] =	vst v63  }
0xf9: {  	s21 =	rddreg [dreg:$0x1c]  }
0xfa: {  	[tilespmem:s21], [sflag:$0x1] =	stream.indirect_vreg.gather [hbm4b:s13+s3], $0x80, v3, vm0, $0xb8;
	[tilespmem:$0x10200] =	vst v63  }
0xfb: {  	_ = 	snop  }
0xfc: {  	[tilespmem:s24], [sflag:$0x1] =	stream.indirect_vreg.gather [hbm4b:s14+s3], $0x80, v3, vm0, $0xb8;
	[tilespmem:$0x10200] =	vst v63  }
0xfd: {  	_ = 	snop  }
0xfe: {  	[tilespmem:s25], [sflag:$0x1] =	stream.indirect_vreg.gather [hbm4b:s15+s3], $0x80, v3, vm0, $0xb8;
	[tilespmem:$0x10200] =	vst v63  }
0xff: {  	_ = 	snop  }
0x100: {  	[tilespmem:s26], [sflag:$0x1] =	stream.indirect_vreg.gather [hbm4b:s16+s3], $0x80, v3, vm0, $0xb8;
	[tilespmem:$0x10200] =	vst v63  }
0x101: {  	_ = 	snop  }
0x102: {  	[tilespmem:s28], [sflag:$0x1] =	stream.indirect_vreg.gather [hbm4b:s17+s3], $0x80, v3, vm0, $0xb8;
	[tilespmem:$0x10200] =	vst v63  }
0x103: {  	_ = 	snop  }
0x104: {  	[tilespmem:s29], [sflag:$0x1] =	stream.indirect_vreg.gather [hbm4b:s18+s3], $0x80, v3, vm0, $0xb8;
	[tilespmem:$0x10200] =	vst v63  }
0x105: {  	_ = 	snop  }
0x106: {  	[tilespmem:s30], [sflag:$0x1] =	stream.indirect_vreg.gather [hbm4b:s19+s3], $0x80, v3, vm0, $0xb8;
	[tilespmem:$0x10200] =	vst v63  }
0x107: {  	_ =	swait.ge [sflag:s31], $0x10000  }
0x108: {  	[sflag:s31] =	ssyncset.done $0x0  }
0x109: {  	[sflag:s31] =	ssyncadd.s32 $0xFFFF0000  }
0x10a: {  	[hbm4b:s2+s3] =	stream.linear.scatter [tilespmem:s23], [sflag:$0x2], $0x10000, $0x38;
	[tilespmem:$0x10200] =	vst v63  }
0x10b: {  	_ =	swait.ge [sflag:s22], $0x10000  }
0x10c: {  	s20 =	sld [smem:$0x7FD];
	_ =	sdelay $0x2  }
0x10d: {  	s21 =	rddreg [dreg:$0x1e];
	s2 =	sadd.s32 $0x1, s20  }
0x10e: {  	p0 =	sne.s32 s2, s21  }
.Ltmp1:
0x10f: {  	_ = 	snop;
	(pc) =	sbr.rel @p0 .LBB2_1-.Ltmp1, $3  }
0x110: {  	_ =	sdelay $0x1  }
0x111: {  	[sflag:s22] =	ssyncset.done $0x0  }
0x112: {  	[sflag:s22] =	ssyncadd.s32 $0xFFFF0000  }
0x113: {  	_ =	sfence.sel $0x180000  }
0x114: {  	[bflag:$0x0] =	sbarrier.arrive $0xFFFF  }
0x115: {  	_ =	strace $0x90000047  }
0x116: {  	s0 =	stileid.u32;
	[bflag:$0x2] =	sbarrier.arrive $0xFFFF  }
0x117: {  	p0 =	sne.s32 s0, $0x0;
	s0 =	rddreg [dreg:$0x3]  }
0x118: {  	s0 =	sadd.s32 @!p0 $0x100000, s0  }
0x119: {  	[sflag:s0] =	ssyncadd.tile.s32 @!p0 $0x1;
	_ =	shalt  }
.Lfunc_end2:
_tile_overlayer_lowered:
.L_overlay_start_2:
0x11a: {  	(tag) =	ssettag $0x2  }
0x11b: {  	s0 =	rddreg [dreg:$0x0];
	s2 =	stileid.u32  }
0x11c: {  	s1 =	rddreg [dreg:$0x1];
	p0 =	sne.s32 s2, $0x0  }
0x11d: {  	s3 =	rddreg [dreg:$0x2];
	[bflag:$0x3] =	sbarrier.arrive $0xFFFF;
	s2 =	simm.s32 @!p0 $0x1C02  }
0x11e: {  	[timem:s3], [sflag:s2] =	dma.local @!p0 [hbm:s0], s1  }
0x11f: {  	s0 =	simm.s32 @!p0 $0x2  }
0x120: {  	_ =	swait.ge @!p0 [sflag:s0], s1  }
0x121: {  	s1 =	ssub.s32 @!p0 $0x0, s1;
	[sflag:s0] =	ssyncset.done @!p0 $0x0  }
0x122: {  	[sflag:s0] =	ssyncadd.s32 @!p0 s1  }
0x123: {  	[bflag:$0x3] =	sbarrier.arrive $0xFFFF  }
0x124: {  	_ =	shalt  }

// kernel: sparse-core-data-format-call.cloned.1.call-start
scs
called_computation_lowered:
.L_overlay_start_0:
0x0: {  	s2 =	sld [smem:$0x3FD9]  }
0x1: {  	s3 =	sld [smem:$0x3FFE];
	_ =	sdelay $0x1  }
0x2: {  	s1 =	srdreg.scid  }
0x3: {  	s0 =	sand.u32 $0x1, s1  }
0x4: {  	s18 =	sshll.u32 s0, $0xA;
	s2 =	sadd.s32 s3, s2  }
0x5: {  	s2 =	sadd.s32 s2, s18  }
0x6: {  	[smem:$0x3FC6] =	sst s2  }
0x7: {  	_ = 	snop  }
0x8: {  	s2 =	sld [smem:$0x3FD0];
	(tm) =	ssettm $0x1  }
0x9: {  	s19 =	sld [smem:$0x3FFB];
	_ =	sdelay $0x3  }
0xa: {  	_ =	strace s19  }
0xb: {  	s3 =	sld [smem:$0x3FFC];
	_ =	sdelay $0x3  }
0xc: {  	_ =	strace s3  }
0xd: {  	s3 =	sld [smem:$0x3FFD];
	_ =	sdelay $0x3  }
0xe: {  	_ =	strace s3  }
0xf: {  	_ =	strace $0x8FFFFFFF  }
0x10: {  	s20 =	sld [smem:$0x3FDB];
	_ =	sdelay $0x1  }
0x11: {  	s4 =	simm.s32 $_scs_section_size  }
0x12: {  	s5 =	simm.s32 $_size__tile_overlayer_lowered;
	s6 =	simm.s32 $_tile_overlayer_lowered  }
0x13: {  	s23 =	simm.s32 $0x1BFF;
	s22 =	sshll.u32 s6, $0x1;
	s3 =	sadd.s32 s4, s20  }
0x14: {  	s7 =	simm.s32 $0x0;
	s21 =	sshll.u32 s5, $0x1;
	s5 =	sadd.s32 s22, s3  }
0x15: {  	[timem:s7], [sflag:s23] =	dma.local [hbm:s5], s21  }
0x16: {  	_ =	swait.ge [sflag:s23], s21  }
0x17: {  	s4 =	ssub.s32 $0x0, s21;
	[sflag:s23] =	ssyncset.done $0x0  }
0x18: {  	[sflag:s23] =	ssyncadd.s32 s4;
	_ =	sdelay $0x1  }
0x19: {  	s24 =	simm.s32 $0x1B8B  }
0x1a: {  	_ =	swait.ge [sflag:s24], $0x1  }
0x1b: {  	[sflag:s24] =	ssyncset.done $0x0  }
0x1c: {  	s26 =	simm.s32 $0x1B8E;
	s25 =	sld [smem:$0x3FFE];
	[sflag:s24] =	ssyncadd.s32 $0xFFFFFFFF  }
0x1d: {  	s27 =	simm.s32 $execute0_lowered;
	[smem:$0x3FD2] =	sst s26  }
0x1e: {  	s5 =	sshll.u32 s27, $0x1;
	_ =	strace $0x80000049;
	[dreg:$0x1] =	wrdreg $0xFFFFFFFF  }
0x1f: {  	s28 =	simm.s32 $_size_execute0_lowered;
	s3 =	sadd.s32 s3, s5;
	[dreg:$0x0] =	wrdreg $0x0  }
0x20: {  	s5 =	sshll.u32 s28, $0x1;
	[dreg:$0x2] =	wrdreg s3  }
0x21: {  	[dreg:$0x3] =	wrdreg s5  }
0x22: {  	[dreg:$0x4] =	wrdreg $0xC0  }
0x23: {  	_ =	task [dreg:s7], $0x5FFFF  }
0x24: {  	[dreg:$0x1] =	wrdreg $0xFFFFFFFF  }
0x25: {  	[dreg:$0x0] =	wrdreg $0x60  }
0x26: {  	[dreg:$0x2] =	wrdreg s25  }
0x27: {  	[dreg:$0x3] =	wrdreg s2  }
0x28: {  	[dreg:$0x4] =	wrdreg $0x9  }
0x29: {  	_ =	task.clear_ibuf [dreg:s7], $0x5FFFF;
	_ =	strace $0x90000049  }
0x2a: {  	s29 =	simm.s32 $0x9;
	_ =	strace $0x8000004B  }
0x2b: {  	_ =	swait.ge [sflag:s29], $0x1  }
0x2c: {  	[sflag:s29] =	ssyncadd.s32 $0xFFFFFFFF  }
0x2d: {  	_ =	strace $0x9000004B  }
0x2e: {  	_ =	sfence  }
0x2f: {  	s30 =	sld [smem:$0x0];
	_ =	sdelay $0x2  }
0x30: {  	s31 =	sshll.u32 s1, $0xD;
	s1 =	sshrl.u32 s1, $0x2  }
0x31: {  	s3 =	sand.u32 $0x4000, s31;
	s1 =	sadd.s32 s1, s30  }
0x32: {  	s0 =	sor.u32 s3, s0;
	s1 =	sshll.u32 s1, $0x11  }
0x33: {  	s0 =	sor.u32 s1, s0  }
0x34: {  	s0 =	sadd.s32 $0x8F2B, s0  }
0x35: {  	[sflag:s0] =	ssyncadd.remote.s32 $0x1  }
0x36: {  	_ =	sfence.sel $0xFFFF  }
0x37: {  	[dreg:$0x0] =	wrdreg $0xFFFFFFFF;
	(pc) =	sbr.abs _section_cstart, $3  }
0x38: {  	[dreg:$0x1] =	wrdreg $0xFFFFFFFF  }
0x39: {  	_ =	task.clear_ibuf [dreg:s7], $0x2FFFF;
	_ =	strace $0x9FFFFFFF  }
0x3a: {  	(tm) =	ssettm $0x7FFFFFFF  }
0x3b: {  	_ =	shalt  }
tec
execute0_lowered:
.L_overlay_start_1:
0x0: {  	(tag) =	ssettag $0x1  }
0x1: {  	s0 =	srdreg.scid;
	s4 =	rddreg [dreg:$0x0]  }
0x2: {  	s2 =	rddreg [dreg:$0x1];
	s7 =	simm.s32 $0x1;
	s1 =	sshll.u32 s0, $0x4  }
0x3: {  	s8 =	simm.s32 $0x2;
	s0 =	stileid.u32;
	s1 =	sand.u32 $0x10, s1  }
0x4: {  	s13 =	simm.s32 $0x0;
	s9 =	simm.s32 $0x0;
	s1 =	sor.u32 s0, s1  }
0x5: {  	s14 =	simm.s32 $0x0;
	s10 =	simm.s32 $0x0;
	s3 =	sshll.u32 s1, $0x3  }
0x6: {  	s12 =	simm.s32 $0x0;
	s4 =	sadd.s32 $0x800, s4;
	s6 =	ssub.s32 $0x4000, s3  }
.Ltmp0:
0x7: {  	s1 =	rddreg [dreg:$0x2];
	s5 =	sand.u32 $0xF8, s6;
	(pc) =	sbr.rel .LBB1_1-.Ltmp0, $4  }
0x8: {  	_ =	strace $0x8000004A;
	p0 =	sne.s32 s5, $0x0;
	s5 =	simm.s32 $0x1  }
0x9: {  	s6 =	sshrl.u32 s6, $0x8;
	s7 =	simm.s32 @!p0 $0x0;
	[sflag:s5] =	ssyncpa.u1 $0x0  }
0xa: {  	s11 =	smov.u32 s3;
	s7 =	sadd.s32 s7, s6;
	[sflag:s8] =	ssyncpa.u1 $0x0  }
0xb: {  	s8 =	simm.s32 $0x1000;
	s6 =	sshll.u32 s7, $0x1;
	s7 =	sshllo.u32 s7, $0x1  }
.LBB1_7:
0xc: {  	s15 =	sadd.s32 $0x800, s10  }
0xd: {  	s13 =	sadd.s32 $0x100, s11;
	s17 =	smov.u32 s11;
	p1 =	sgt.s32 s15, $0xFFF  }
0xe: {  	s17 =	smov.u32 @p1 s13  }
0xf: {  	s15 =	simm.s32 @p1 $0x0;
	p1 =	sgt.s32 s17, $0x3FFF  }
0x10: {  	s17 =	smov.u32 @p1 s3;
	p1 =	sne.s32 s12, s7  }
.Ltmp1:
0x11: {  	p0 =	slt.u32 s12, $0x2;
	(pc) =	sbr.rel @!p1 .LBB1_8-.Ltmp1, $4  }
0x12: {  	s16 =	simm.s32 @!p0 $0x2  }
0x13: {  	s14 =	smov.u32 s11;
	s9 =	sadd.s32 $0x4000, s9;
	_ =	swait.ge @!p0 [sflag:s16], $0x4000  }
0x14: {  	s13 =	smov.u32 s10;
	[sflag:s16] =	ssyncset.done @!p0 $0x0;
	s10 =	smov.u32 s15  }
0x15: {  	s12 =	sadd.s32 $0x1, s12;
	[sflag:s16] =	ssyncadd.s32 @!p0 $0xFFFFC000;
	s11 =	smov.u32 s17  }
.LBB1_1:
0x16: {  	p0 =	sge.u32 s12, s6  }
0x17: {  	s15 =	sand.u32 @!p0 $0x78, s10;
	s16 =	sshll.u32 @!p0 s11, $0xC;
	s17 =	sshll.u32 @!p0 s11, $0x7  }
0x18: {  	s18 =	sshll.u32 @!p0 s10, $0x3;
	s16 =	sand.u32 @!p0 $0x3FF8000, s16;
	s17 =	sand.u32 @!p0 $0x380, s17  }
0x19: {  	s16 =	sadd.s32 @!p0 s16, s18;
	s18 =	sand.u32 @!p0 $0xC00, s18;
	s15 =	sor.u32 @!p0 s17, s15  }
0x1a: {  	s16 =	sand.u32 @!p0 $0x3FFF000, s16;
	s15 =	sor.u32 @!p0 s18, s15  }
0x1b: {  	s17 =	sxor.u32 @!p0 $0xFFFFFFFF, s12;
	s15 =	sor.u32 @!p0 s16, s15  }
0x1c: {  	s31 =	sadd.s32 $0xFFFFFFFF, s12;
	s16 =	sshll.u32 @!p0 s17, $0xE;
	s15 =	sshrl.u32 @!p0 s15, $0x3  }
0x1d: {  	s17 =	sand.u32 @!p0 $0x7, s10;
	s16 =	sand.u32 @!p0 $0x4000, s16;
	s15 =	sadd.s32 @!p0 s4, s15  }
0x1e: {  	[tilespmem:s16], [sflag:$0x1] =	stream.linear.gather @!p0 [hbm4b:s15+s17], $0x4000, $0x38;
	[tilespmem:$0x10000] =	vst v63  }
0x1f: {  	p0 =	sge.u32 s31, s6  }
.Ltmp2:
0x20: {  	_ = 	snop;
	(pc) =	sbr.rel @p0 .LBB1_7-.Ltmp2, $1  }
0x21: {  	_ =	sdelay $0x3  }
0x22: {  	s15 =	sand.u32 $0x4000, s9  }
0x23: {  	_ =	swait.ge [sflag:s5], $0x4000;
	s18 =	sshll.u32 s12, $0xE;
	s16 =	sor.u32 $0x8100, s15  }
0x24: {  	s17 =	sor.u32 $0x800, s15;
	[sflag:s5] =	ssyncset.done $0x0;
	s31 =	sand.u32 $0x4000, s18  }
0x25: {  	s18 =	simm.s32 $0x0;
	[sflag:s5] =	ssyncadd.s32 $0xFFFFC000;
	s15 =	sor.u32 $0x8000, s31  }
.LBB1_3:
0x26: {  	v0 =	vld [tilespmem:s17+$0x470]  }
0x27: {  	v1 =	vld [tilespmem:s17+$0xFFFFF810]  }
0x28: {  	v2 =	vld [tilespmem:s17+$0xFFFFF820]  }
0x29: {  	v3 =	vld [tilespmem:s17+$0xFFFFF830]  }
0x2a: {  	v4 =	vld [tilespmem:s17+$0xFFFFF840]  }
0x2b: {  	v5 =	vld [tilespmem:s17+$0xFFFFF850];
	[tilespmem:s16+$0xF0] =	vst v0  }
0x2c: {  	[tilespmem:s16+$0xFFFFFF10] =	vst v1;
	v0 =	vld [tilespmem:s17+$0xFFFFF860]  }
0x2d: {  	[tilespmem:s16+$0xFFFFFF20] =	vst v2;
	v1 =	vld [tilespmem:s17+$0xFFFFF870]  }
0x2e: {  	[tilespmem:s16+$0xFFFFFF30] =	vst v3;
	v2 =	vld [tilespmem:s17+$0xFFFFFC00]  }
0x2f: {  	[tilespmem:s16+$0xFFFFFF40] =	vst v4;
	v3 =	vld [tilespmem:s17+$0xFFFFFC10]  }
0x30: {  	[tilespmem:s16+$0xFFFFFF50] =	vst v5;
	v4 =	vld [tilespmem:s17+$0xFFFFFC20]  }
0x31: {  	v5 =	vld [tilespmem:s17+$0x420];
	[tilespmem:s16+$0xFFFFFF60] =	vst v0  }
0x32: {  	v0 =	vld [tilespmem:s17+$0xFFFFFC30];
	[tilespmem:s16+$0xFFFFFF70] =	vst v1  }
0x33: {  	v1 =	vld [tilespmem:s17+$0xFFFFFC40];
	[tilespmem:s16+$0xFFFFFF80] =	vst v2  }
0x34: {  	[tilespmem:s16+$0xFFFFFF90] =	vst v3;
	v3 =	vld [tilespmem:s17+$0xFFFFFC60]  }
0x35: {  	[tilespmem:s16+$0xFFFFFFA0] =	vst v4;
	v4 =	vld [tilespmem:s17+$0xFFFFFC70]  }
0x36: {  	v2 =	vld [tilespmem:s17+$0xFFFFFC50];
	[tilespmem:s16+$0xA0] =	vst v5  }
0x37: {  	[tilespmem:s16+$0xFFFFFFB0] =	vst v0;
	v0 =	vld [tilespmem:s17+$0x0]  }
0x38: {  	[tilespmem:s16+$0xFFFFFFC0] =	vst v1;
	v1 =	vld [tilespmem:s17+$0x10]  }
0x39: {  	[tilespmem:s16+$0xFFFFFFE0] =	vst v3;
	v3 =	vld [tilespmem:s17+$0x30]  }
0x3a: {  	[tilespmem:s16+$0xFFFFFFF0] =	vst v4;
	v4 =	vld [tilespmem:s17+$0x40]  }
0x3b: {  	[tilespmem:s16+$0xFFFFFFD0] =	vst v2;
	v2 =	vld [tilespmem:s17+$0x20]  }
0x3c: {  	[tilespmem:s16+$0x0] =	vst v0;
	v0 =	vld [tilespmem:s17+$0x50]  }
0x3d: {  	[tilespmem:s16+$0x10] =	vst v1;
	v1 =	vld [tilespmem:s17+$0x60]  }
0x3e: {  	[tilespmem:s16+$0x30] =	vst v3;
	v3 =	vld [tilespmem:s17+$0x400]  }
0x3f: {  	[tilespmem:s16+$0x40] =	vst v4;
	v4 =	vld [tilespmem:s17+$0x410]  }
0x40: {  	[tilespmem:s16+$0x20] =	vst v2;
	v2 =	vld [tilespmem:s17+$0x70]  }
0x41: {  	[tilespmem:s16+$0x50] =	vst v0;
	v0 =	vld [tilespmem:s17+$0x430]  }
0x42: {  	[tilespmem:s16+$0x60] =	vst v1;
	v1 =	vld [tilespmem:s17+$0x440]  }
0x43: {  	[tilespmem:s16+$0x80] =	vst v3;
	v3 =	vld [tilespmem:s17+$0x450]  }
0x44: {  	[tilespmem:s16+$0x90] =	vst v4;
	v4 =	vld [tilespmem:s17+$0x460]  }
0x45: {  	s20 =	simm.s32 $0x0;
	s21 =	sadd.s32 $0x1000, s17;
	s19 =	smov.u32 s16;
	[tilespmem:s16+$0x70] =	vst v2;
	v2 =	vld [tilespmem:s17+$0xFFFFF800]  }
.LBB1_4:
0x46: {  	v5 =	vld [tilespmem:s21+$0x470];
	s20 =	sadd.s32 $0x200, s20;
	[tilespmem:s19+$0xB0] =	vst v0  }
0x47: {  	v0 =	vld [tilespmem:s21+$0xFFFFF810];
	p0 =	slt.u32 s20, $0x600;
	[tilespmem:s19+$0xC0] =	vst v1  }
0x48: {  	v1 =	vld [tilespmem:s21+$0xFFFFF820];
	[tilespmem:s19+$0xD0] =	vst v3  }
0x49: {  	v3 =	vld [tilespmem:s21+$0xFFFFF830];
	[tilespmem:s19+$0xE0] =	vst v4  }
0x4a: {  	v4 =	vld [tilespmem:s21+$0xFFFFF840];
	[tilespmem:s19+$0xFFFFFF00] =	vst v2;
	s19 =	sadd.s32 $0x200, s19  }
0x4b: {  	v2 =	vld [tilespmem:s21+$0xFFFFF850];
	[tilespmem:s19+$0xF0] =	vst v5  }
0x4c: {  	[tilespmem:s19+$0xFFFFFF10] =	vst v0;
	v0 =	vld [tilespmem:s21+$0xFFFFF860]  }
0x4d: {  	[tilespmem:s19+$0xFFFFFF20] =	vst v1;
	v1 =	vld [tilespmem:s21+$0xFFFFF870]  }
0x4e: {  	[tilespmem:s19+$0xFFFFFF30] =	vst v3;
	v3 =	vld [tilespmem:s21+$0xFFFFFC00]  }
0x4f: {  	[tilespmem:s19+$0xFFFFFF40] =	vst v4;
	v4 =	vld [tilespmem:s21+$0xFFFFFC10]  }
0x50: {  	[tilespmem:s19+$0xFFFFFF50] =	vst v2;
	v2 =	vld [tilespmem:s21+$0xFFFFFC20]  }
0x51: {  	[tilespmem:s19+$0xFFFFFF60] =	vst v0;
	v0 =	vld [tilespmem:s21+$0xFFFFFC30]  }
0x52: {  	[tilespmem:s19+$0xFFFFFF70] =	vst v1;
	v1 =	vld [tilespmem:s21+$0xFFFFFC40]  }
0x53: {  	[tilespmem:s19+$0xFFFFFF80] =	vst v3;
	v3 =	vld [tilespmem:s21+$0xFFFFFC50]  }
0x54: {  	[tilespmem:s19+$0xFFFFFF90] =	vst v4;
	v4 =	vld [tilespmem:s21+$0xFFFFFC60]  }
0x55: {  	[tilespmem:s19+$0xFFFFFFA0] =	vst v2;
	v2 =	vld [tilespmem:s21+$0xFFFFFC70]  }
0x56: {  	[tilespmem:s19+$0xFFFFFFB0] =	vst v0;
	v0 =	vld [tilespmem:s21+$0x0]  }
0x57: {  	[tilespmem:s19+$0xFFFFFFC0] =	vst v1;
	v1 =	vld [tilespmem:s21+$0x10]  }
0x58: {  	[tilespmem:s19+$0xFFFFFFD0] =	vst v3;
	v3 =	vld [tilespmem:s21+$0x20]  }
0x59: {  	[tilespmem:s19+$0xFFFFFFE0] =	vst v4;
	v4 =	vld [tilespmem:s21+$0x30]  }
0x5a: {  	[tilespmem:s19+$0xFFFFFFF0] =	vst v2;
	v2 =	vld [tilespmem:s21+$0x40]  }
0x5b: {  	[tilespmem:s19+$0x0] =	vst v0;
	v0 =	vld [tilespmem:s21+$0x50]  }
0x5c: {  	[tilespmem:s19+$0x10] =	vst v1;
	v1 =	vld [tilespmem:s21+$0x60]  }
0x5d: {  	[tilespmem:s19+$0x20] =	vst v3;
	v3 =	vld [tilespmem:s21+$0x70]  }
0x5e: {  	[tilespmem:s19+$0x30] =	vst v4;
	v4 =	vld [tilespmem:s21+$0x400]  }
0x5f: {  	[tilespmem:s19+$0x40] =	vst v2;
	v2 =	vld [tilespmem:s21+$0x410]  }
0x60: {  	[tilespmem:s19+$0x50] =	vst v0;
	v5 =	vld [tilespmem:s21+$0x420]  }
.Ltmp3:
0x61: {  	[tilespmem:s19+$0x60] =	vst v1;
	v0 =	vld [tilespmem:s21+$0x430];
	(pc) =	sbr.rel @p0 .LBB1_4-.Ltmp3, $4  }
0x62: {  	[tilespmem:s19+$0x70] =	vst v3;
	v1 =	vld [tilespmem:s21+$0x440]  }
0x63: {  	[tilespmem:s19+$0x80] =	vst v4;
	v3 =	vld [tilespmem:s21+$0x450]  }
0x64: {  	[tilespmem:s19+$0x90] =	vst v2;
	v4 =	vld [tilespmem:s21+$0x460]  }
0x65: {  	v2 =	vld [tilespmem:s21+$0xFFFFF800];
	[tilespmem:s19+$0xA0] =	vst v5;
	s21 =	sadd.s32 $0x1000, s21  }
0x66: {  	s18 =	sadd.s32 $0x1, s18  }
0x67: {  	p0 =	sne.s32 s18, $0x8  }
.Ltmp4:
0x68: {  	[tilespmem:s19+$0xB0] =	vst v0;
	(pc) =	sbr.rel @p0 .LBB1_3-.Ltmp4, $4  }
0x69: {  	[tilespmem:s19+$0xC0] =	vst v1  }
0x6a: {  	[tilespmem:s19+$0xD0] =	vst v3  }
0x6b: {  	[tilespmem:s19+$0xE0] =	vst v4  }
0x6c: {  	s16 =	sadd.s32 $0x800, s16;
	s17 =	sadd.s32 $0x80, s17;
	[tilespmem:s19+$0xFFFFFF00] =	vst v2  }
.Ltmp5:
0x6d: {  	(pc) =	sbr.rel .LBB1_7-.Ltmp5, $4  }
0x6e: {  	s14 =	sshll.u32 s14, $0x9;
	s16 =	sshrl.u32 s13, $0x3;
	s31 =	sand.u32 $0x7, s13  }
0x6f: {  	s16 =	sand.u32 $0x1FF, s16;
	s14 =	sadd.s32 s2, s14;
	s13 =	sshll.u32 s31, $0x12  }
0x70: {  	s14 =	sadd.s32 s16, s14;
	s13 =	sor.u32 $0x800, s13  }
0x71: {  	[hbm4b:s14+s13] =	stream.strided.scatter [tilespmem:s15], [sflag:$0x2], $0x4000, s8, s13, $0x38;
	[tilespmem:$0x10000] =	vst v63  }
.LBB1_8:
0x72: {  	_ =	sfence.sel $0x180000  }
0x73: {  	s2 =	simm.s32 $0x1;
	[bflag:$0x0] =	sbarrier.arrive $0xFFFF  }
0x74: {  	s31 =	simm.s32 $0x2;
	[sflag:s2] =	ssyncpa.u1 $0x1  }
0x75: {  	[sflag:s31] =	ssyncpa.u1 $0x1  }
0x76: {  	p0 =	sne.s32 s0, $0x0;
	_ =	strace $0x9000004A  }
0x77: {  	s0 =	sadd.s32 @!p0 $0x100000, s1;
	[bflag:$0x2] =	sbarrier.arrive $0xFFFF  }
0x78: {  	[sflag:s0] =	ssyncadd.tile.s32 @!p0 $0x1;
	_ =	shalt  }
.Lfunc_end1:
_tile_overlayer_lowered:
.L_overlay_start_2:
0x79: {  	(tag) =	ssettag $0x2  }
0x7a: {  	s0 =	rddreg [dreg:$0x0];
	s2 =	stileid.u32  }
0x7b: {  	s1 =	rddreg [dreg:$0x1];
	p0 =	sne.s32 s2, $0x0  }
0x7c: {  	s3 =	rddreg [dreg:$0x2];
	[bflag:$0x3] =	sbarrier.arrive $0xFFFF;
	s2 =	simm.s32 @!p0 $0x1C01  }
0x7d: {  	[timem:s3], [sflag:s2] =	dma.local @!p0 [hbm:s0], s1  }
0x7e: {  	s0 =	simm.s32 @!p0 $0x1  }
0x7f: {  	_ =	swait.ge @!p0 [sflag:s0], s1  }
0x80: {  	s1 =	ssub.s32 @!p0 $0x0, s1;
	[sflag:s0] =	ssyncset.done @!p0 $0x0  }
0x81: {  	[sflag:s0] =	ssyncadd.s32 @!p0 s1  }
0x82: {  	[bflag:$0x3] =	sbarrier.arrive $0xFFFF  }
0x83: {  	_ =	shalt  }

</sc_bundles>
